<compile_context>
chip_gen: v7x
topology: tpu7x:2x2x1
jax: 0.10.2.dev20260603
libtpu: 0.0.44.dev20260713+nightly
codegen_flags: <defaults>
</compile_context>

<pallas_src>
import functools
import math

import jax
import jax.numpy as jnp
from jax import lax
from jax.experimental import pallas as pl
from jax.experimental.pallas import tpu as pltpu
from jax.experimental.pallas import tpu_sc as plsc

_T = 8192
_D = 2048
_E = 64
_K = 8
_BLOCK_T = 1024
_EPS = 1e-5
_INV_SQRT2 = 1.0 / math.sqrt(2.0)

_NC = 2
_NS = 16
_NW = _NC * _NS
_ROWS_PER_W = _T // _NW


def _layernorm(h, gamma, beta):
    mu = jnp.mean(h, axis=-1, keepdims=True)
    var = jnp.mean((h - mu) ** 2, axis=-1, keepdims=True)
    return (h - mu) * jax.lax.rsqrt(var + _EPS) * gamma + beta


def _gelu_exact(h):
    return h * 0.5 * (1.0 + jax.lax.erf(h * _INV_SQRT2))


def _mlp_kernel(x_ref, w1t_ref, b1_ref, g1_ref, be1_ref,
                w2t_ref, b2_ref, g2_ref, be2_ref, w3t_ref,
                logits_ref):
    h = jnp.dot(x_ref[...], w1t_ref[...], preferred_element_type=jnp.float32)
    h = _gelu_exact(_layernorm(h + b1_ref[...], g1_ref[...], be1_ref[...]))
    h = jnp.dot(h, w2t_ref[...], preferred_element_type=jnp.float32)
    h = _gelu_exact(_layernorm(h + b2_ref[...], g2_ref[...], be2_ref[...]))
    logits_ref[...] = jnp.dot(h, w3t_ref[...],
                              preferred_element_type=jnp.float32)


def _mlp_logits(x, w1, b1, g1, be1, w2, b2, g2, be2, w3):
    grid = (_T // _BLOCK_T,)
    tok = lambda i: (i, 0)
    rep = lambda i: (0, 0)
    f = pl.pallas_call(
        _mlp_kernel,
        grid=grid,
        in_specs=[
            pl.BlockSpec((_BLOCK_T, _D), tok),
            pl.BlockSpec((_D, 128), rep),
            pl.BlockSpec((1, 128), rep),
            pl.BlockSpec((1, 128), rep),
            pl.BlockSpec((1, 128), rep),
            pl.BlockSpec((128, 32), rep),
            pl.BlockSpec((1, 32), rep),
            pl.BlockSpec((1, 32), rep),
            pl.BlockSpec((1, 32), rep),
            pl.BlockSpec((32, _E), rep),
        ],
        out_specs=pl.BlockSpec((_BLOCK_T, _E), tok),
        out_shape=jax.ShapeDtypeStruct((_T, _E), jnp.float32),
    )
    return f(x, w1.T, b1[None, :], g1[None, :], be1[None, :],
             w2.T, b2[None, :], g2[None, :], be2[None, :], w3.T)


def _merge_top8(ak, av, bk, bv, low):
    ck = jnp.where(low, ak, jnp.flip(bk, 0))
    cv = jnp.where(low, av, jnp.flip(bv, 0))
    return plsc.sort_key_val(ck, cv, descending=True)


def _topk_sc_body(logits_hbm, w_hbm, idx_hbm, lg_v, w_v, idx_v, lane, i16):
    wid = lax.axis_index("c") * _NS + lax.axis_index("s")
    base = wid * _ROWS_PER_W
    pltpu.sync_copy(logits_hbm.at[pl.ds(base, _ROWS_PER_W)], lg_v)
    lane[...] = lax.iota(jnp.int32, 16)
    i16[...] = lane[...] + 16

    def body(t, carry):
        lo = lane[...] < 8
        k0 = lg_v[t, pl.ds(0, 16)]
        k1 = lg_v[t, pl.ds(16, 16)]
        k2 = lg_v[t, pl.ds(32, 16)]
        k3 = lg_v[t, pl.ds(48, 16)]
        s0 = plsc.sort_key_val(k0, lane[...], descending=True)
        s1 = plsc.sort_key_val(k1, i16[...], descending=True)
        s2 = plsc.sort_key_val(k2, i16[...] + 16, descending=True)
        s3 = plsc.sort_key_val(k3, i16[...] + 32, descending=True)
        m01 = _merge_top8(s0[0], s0[1], s1[0], s1[1], lo)
        m23 = _merge_top8(s2[0], s2[1], s3[0], s3[1], lo)
        fk, fv = _merge_top8(m01[0], m01[1], m23[0], m23[1], lo)
        e = jnp.exp(fk - jnp.max(fk))
        e = jnp.where(lo, e, 0.0)
        w = e / jnp.sum(e)
        off = pl.multiple_of(t * _K, 8)
        w_v[pl.ds(off, 16)] = w
        idx_v[pl.ds(off, 16)] = fv
        return carry

    lax.fori_loop(0, _ROWS_PER_W, body, 0)
    out_base = base * _K
    pltpu.sync_copy(w_v.at[pl.ds(0, _ROWS_PER_W * _K)],
                    w_hbm.at[pl.ds(out_base, _ROWS_PER_W * _K)])
    pltpu.sync_copy(idx_v.at[pl.ds(0, _ROWS_PER_W * _K)],
                    idx_hbm.at[pl.ds(out_base, _ROWS_PER_W * _K)])


_topk_sc = functools.partial(
    pl.kernel,
    out_type=(
        jax.ShapeDtypeStruct((_T * _K,), jnp.float32),
        jax.ShapeDtypeStruct((_T * _K,), jnp.int32),
    ),
    mesh=plsc.VectorSubcoreMesh(core_axis_name="c", subcore_axis_name="s"),
    compiler_params=pltpu.CompilerParams(needs_layout_passes=False),
    scratch_types=[
        pltpu.VMEM((_ROWS_PER_W, _E), jnp.float32),
        pltpu.VMEM((_ROWS_PER_W * _K + 16,), jnp.float32),
        pltpu.VMEM((_ROWS_PER_W * _K + 16,), jnp.int32),
        pltpu.VMEM((16,), jnp.int32),
        pltpu.VMEM((16,), jnp.int32),
    ],
)(_topk_sc_body)


def kernel(x, w1, b1, g1, be1, w2, b2, g2, be2, w3):
    logits = _mlp_logits(x, w1, b1, g1, be1, w2, b2, g2, be2, w3)
    w_flat, idx_flat = _topk_sc(logits)
    return (w_flat.reshape(_T, _K), idx_flat.reshape(_T, _K), logits)

# --- scband reference (transcript-rebuilt; emitter-appended) ---
"""Pipeline reference for scband-noisy-top-kgating-86809878986950 (READ-ONLY COPY).

The authoritative reference and input builder live on the scoring server;
editing this copy changes nothing except your own understanding.
"""

import jax, jax.numpy as jnp
import numpy as np

T = 8192      # tokens (batch*seq)
D = 2048      # model_dim
E = 64        # num_experts
K = 8         # top_k
TEMP = 1.0    # temperature


def _layernorm(x, gamma, beta, eps=1e-5):
    mu = jnp.mean(x, axis=-1, keepdims=True)
    var = jnp.var(x, axis=-1, keepdims=True)
    return (x - mu) / jnp.sqrt(var + eps) * gamma + beta


def setup_inputs(seed: int = 0) -> dict:
    key = jax.random.key(seed)
    ks = jax.random.split(key, 12)
    x = jax.random.normal(ks[0], (T, D), dtype=jnp.float32)
    w1 = jax.random.normal(ks[1], (128, D), dtype=jnp.float32) * (1.0 / np.sqrt(D))
    b1 = jax.random.normal(ks[2], (128,), dtype=jnp.float32) * 0.01
    g1 = jnp.ones((128,), dtype=jnp.float32)
    be1 = jnp.zeros((128,), dtype=jnp.float32)
    w2 = jax.random.normal(ks[3], (32, 128), dtype=jnp.float32) * (1.0 / np.sqrt(128))
    b2 = jax.random.normal(ks[4], (32,), dtype=jnp.float32) * 0.01
    g2 = jnp.ones((32,), dtype=jnp.float32)
    be2 = jnp.zeros((32,), dtype=jnp.float32)
    w3 = jax.random.normal(ks[5], (E, 32), dtype=jnp.float32) * (1.0 / np.sqrt(32))
    return {"x": x, "w1": w1, "b1": b1, "g1": g1, "be1": be1,
            "w2": w2, "b2": b2, "g2": g2, "be2": be2, "w3": w3}


def reference(x, w1, b1, g1, be1, w2, b2, g2, be2, w3):
    # gate_projector: Linear -> LayerNorm -> GELU -> Linear -> LayerNorm -> GELU -> Linear(no bias)
    h = x @ w1.T + b1
    h = _layernorm(h, g1, be1)
    h = jax.nn.gelu(h, approximate=False)
    h = h @ w2.T + b2
    h = _layernorm(h, g2, be2)
    h = jax.nn.gelu(h, approximate=False)
    clean_logits = h @ w3.T
    # eval mode: noisy_logits == clean_logits (no Gaussian noise)
    top_k_logits, top_k_indices = jax.lax.top_k(clean_logits, K)
    combined_weights = jax.nn.softmax(top_k_logits / TEMP, axis=-1)
    return (combined_weights, top_k_indices, clean_logits)

if __name__ == "__main__":
    import jax
    _d = setup_inputs()
    print(jax.jit(kernel)(*tuple(_d.values())))

</pallas_src>

<mosaic_0001>
#map = affine_map<(d0, d1) -> (0, 0)>
#map1 = affine_map<(d0, d1) -> (0)>
module attributes {stable_mosaic.version = 14 : i64} {
  func.func @_topk_sc_body(%arg0: i32, %arg1: i32, %arg2: memref<8192x64xf32, #tpu.memory_space<hbm>>, %arg3: memref<65536xf32, #tpu.memory_space<hbm>>, %arg4: memref<65536xi32, #tpu.memory_space<hbm>>, %arg5: memref<256x64xf32, #tpu.memory_space<vmem>>, %arg6: memref<2064xf32, #tpu.memory_space<vmem>>, %arg7: memref<2064xi32, #tpu.memory_space<vmem>>, %arg8: memref<16xi32, #tpu.memory_space<vmem>>, %arg9: memref<16xi32, #tpu.memory_space<vmem>>) attributes {dimension_semantics = [#tpu.dimension_semantics<core_parallel>, #tpu.dimension_semantics<subcore_parallel>], iteration_bounds = array<i64: 2, 16>, scalar_prefetch = 0 : i64, scratch_operands = 5 : i64, tpu.core_type = #tpu.core_type<sc_vector_subcore>, window_params = [{transform_indices = #map}, {transform_indices = #map1}, {transform_indices = #map1}]} {
    %mul3A = arith.constant 16 : i32
    %mul3A_0 = arith.muli %arg0, %mul3A : i32
    %add3A = arith.addi %mul3A_0, %arg1 : i32
    %mul3A_1 = arith.constant 256 : i32
    %mul3A_2 = arith.muli %add3A, %mul3A_1 : i32
    "tpu.region"() ({
      %run_scoped3A = tpu.sem_alloc : memref<!tpu.dma_semaphore, #tpu.memory_space<semaphore_mem>>
      %dma_start3A = arith.constant 0 : i32
      %dma_start3A_17 = tpu.memref_slice %arg2[%mul3A_2, %dma_start3A] : memref<8192x64xf32, #tpu.memory_space<hbm>> -> memref<256x64xf32, #tpu.memory_space<hbm>>
      %dma_start3A_18 = arith.constant 0 : i32
      %dma_start3A_19 = tpu.memref_slice %arg2[%mul3A_2, %dma_start3A_18] : memref<8192x64xf32, #tpu.memory_space<hbm>> -> memref<256x64xf32, #tpu.memory_space<hbm>>
      tpu.enqueue_dma source(%dma_start3A_19 : memref<256x64xf32, #tpu.memory_space<hbm>>) target(%arg5 : memref<256x64xf32, #tpu.memory_space<vmem>>) target_semaphore(%run_scoped3A : memref<!tpu.dma_semaphore, #tpu.memory_space<semaphore_mem>>)
      %dma_wait3A = arith.constant 0 : i32
      %dma_wait3A_20 = tpu.memref_slice %arg2[%mul3A_2, %dma_wait3A] : memref<8192x64xf32, #tpu.memory_space<hbm>> -> memref<256x64xf32, #tpu.memory_space<hbm>>
      %dma_wait3A_21 = arith.constant 0 : i32
      %dma_wait3A_22 = tpu.memref_slice %arg2[%mul3A_2, %dma_wait3A_21] : memref<8192x64xf32, #tpu.memory_space<hbm>> -> memref<256x64xf32, #tpu.memory_space<hbm>>
      tpu.wait_dma2 semaphore(%run_scoped3A : memref<!tpu.dma_semaphore, #tpu.memory_space<semaphore_mem>>) src(%dma_wait3A_22 : memref<256x64xf32, #tpu.memory_space<hbm>>) dst(%arg5 : memref<256x64xf32, #tpu.memory_space<vmem>>)
      tpu.yield
    }) : () -> ()
    %iota3A = tpu.iota {dimensions = array<i32: 0>} : vector<16xi32>
    %swap3A = arith.constant 0 : index
    %swap3A_3 = tpu.vector_load %arg8[%swap3A] {strides = array<i32>} : memref<16xi32, #tpu.memory_space<vmem>>, vector<16xi32>,
    tpu.vector_store %arg8[%swap3A], %iota3A {strides = array<i32>} : memref<16xi32, #tpu.memory_space<vmem>>, vector<16xi32>,
    %get3A = arith.constant 0 : index
    %get3A_4 = tpu.vector_load %arg8[%get3A] {strides = array<i32>} : memref<16xi32, #tpu.memory_space<vmem>>, vector<16xi32>,
    %add3A_5 = arith.constant 16 : i32
    %add3A_6 = vector.broadcast %add3A_5 : i32 to vector<16xi32>
    %add3A_7 = arith.addi %get3A_4, %add3A_6 : vector<16xi32>
    %swap3A_8 = arith.constant 0 : index
    %swap3A_9 = tpu.vector_load %arg9[%swap3A_8] {strides = array<i32>} : memref<16xi32, #tpu.memory_space<vmem>>, vector<16xi32>,
    tpu.vector_store %arg9[%swap3A_8], %add3A_7 {strides = array<i32>} : memref<16xi32, #tpu.memory_space<vmem>>, vector<16xi32>,
    %scan3A = arith.constant 0 : i32
    %scan3A_10 = arith.constant 0 : i32
    %scan3A_11 = arith.constant 256 : i32
    %scan3A_12 = arith.addi %scan3A_10, %scan3A_11 : i32
    %scan3A_13 = arith.constant 1 : i32
    scf.for %scan3A_17 = %scan3A_10 to %scan3A_12 step %scan3A_13  : i32 {
      %get3A_18 = arith.constant 0 : index
      %get3A_19 = tpu.vector_load %arg8[%get3A_18] {strides = array<i32>} : memref<16xi32, #tpu.memory_space<vmem>>, vector<16xi32>,
      %lt3A = arith.constant 8 : i32
      %lt3A_20 = vector.broadcast %lt3A : i32 to vector<16xi32>
      %lt3A_21 = arith.cmpi slt, %get3A_19, %lt3A_20 : vector<16xi32>
      %get3A_22 = arith.index_cast %scan3A_17 : i32 to index
      %get3A_23 = arith.constant 0 : index
      %get3A_24 = tpu.vector_load %arg5[%get3A_22, %get3A_23] {strides = array<i32>} : memref<256x64xf32, #tpu.memory_space<vmem>>, vector<16xf32>,
      %get3A_25 = arith.index_cast %scan3A_17 : i32 to index
      %get3A_26 = arith.constant 16 : index
      %get3A_27 = tpu.vector_load %arg5[%get3A_25, %get3A_26] {strides = array<i32>} : memref<256x64xf32, #tpu.memory_space<vmem>>, vector<16xf32>,
      %get3A_28 = arith.index_cast %scan3A_17 : i32 to index
      %get3A_29 = arith.constant 32 : index
      %get3A_30 = tpu.vector_load %arg5[%get3A_28, %get3A_29] {strides = array<i32>} : memref<256x64xf32, #tpu.memory_space<vmem>>, vector<16xf32>,
      %get3A_31 = arith.index_cast %scan3A_17 : i32 to index
      %get3A_32 = arith.constant 48 : index
      %get3A_33 = tpu.vector_load %arg5[%get3A_31, %get3A_32] {strides = array<i32>} : memref<256x64xf32, #tpu.memory_space<vmem>>, vector<16xf32>,
      %get3A_34 = arith.constant 0 : index
      %get3A_35 = tpu.vector_load %arg8[%get3A_34] {strides = array<i32>} : memref<16xi32, #tpu.memory_space<vmem>>, vector<16xi32>,
      %masked_sort3A = arith.constant dense<true> : vector<16xi1>
      %masked_sort3A_36, %masked_sort3A_37, %masked_sort3A_38 = tpu.sort %get3A_24, %get3A_35 masked %masked_sort3A {descending = true} : (vector<16xf32>, vector<16xi32>, vector<16xi1>) -> (vector<16xi1>, vector<16xf32>, vector<16xi32>)
      %get3A_39 = arith.constant 0 : index
      %get3A_40 = tpu.vector_load %arg9[%get3A_39] {strides = array<i32>} : memref<16xi32, #tpu.memory_space<vmem>>, vector<16xi32>,
      %masked_sort3A_41 = arith.constant dense<true> : vector<16xi1>
      %masked_sort3A_42, %masked_sort3A_43, %masked_sort3A_44 = tpu.sort %get3A_27, %get3A_40 masked %masked_sort3A_41 {descending = true} : (vector<16xf32>, vector<16xi32>, vector<16xi1>) -> (vector<16xi1>, vector<16xf32>, vector<16xi32>)
      %get3A_45 = arith.constant 0 : index
      %get3A_46 = tpu.vector_load %arg9[%get3A_45] {strides = array<i32>} : memref<16xi32, #tpu.memory_space<vmem>>, vector<16xi32>,
      %add3A_47 = arith.constant 16 : i32
      %add3A_48 = vector.broadcast %add3A_47 : i32 to vector<16xi32>
      %add3A_49 = arith.addi %get3A_46, %add3A_48 : vector<16xi32>
      %masked_sort3A_50 = arith.constant dense<true> : vector<16xi1>
      %masked_sort3A_51, %masked_sort3A_52, %masked_sort3A_53 = tpu.sort %get3A_30, %add3A_49 masked %masked_sort3A_50 {descending = true} : (vector<16xf32>, vector<16xi32>, vector<16xi1>) -> (vector<16xi1>, vector<16xf32>, vector<16xi32>)
      %get3A_54 = arith.constant 0 : index
      %get3A_55 = tpu.vector_load %arg9[%get3A_54] {strides = array<i32>} : memref<16xi32, #tpu.memory_space<vmem>>, vector<16xi32>,
      %add3A_56 = arith.constant 32 : i32
      %add3A_57 = vector.broadcast %add3A_56 : i32 to vector<16xi32>
      %add3A_58 = arith.addi %get3A_55, %add3A_57 : vector<16xi32>
      %masked_sort3A_59 = arith.constant dense<true> : vector<16xi1>
      %masked_sort3A_60, %masked_sort3A_61, %masked_sort3A_62 = tpu.sort %get3A_33, %add3A_58 masked %masked_sort3A_59 {descending = true} : (vector<16xf32>, vector<16xi32>, vector<16xi1>) -> (vector<16xi1>, vector<16xf32>, vector<16xi32>)
      %rev3A = arith.constant 15 : i32
      %rev3A_63 = vector.broadcast %rev3A : i32 to vector<16xi32>
      %rev3A_64 = tpu.iota {dimensions = array<i32: 0>} : vector<16xi32>
      %rev3A_65 = arith.subi %rev3A_63, %rev3A_64 : vector<16xi32>
      %rev3A_66 = tpu.dynamic_gather %masked_sort3A_43[%rev3A_65] in [0] : vector<16xf32>, vector<16xi32> -> vector<16xf32>
      %select_n3A = arith.select %lt3A_21, %masked_sort3A_37, %rev3A_66 : vector<16xi1>, vector<16xf32>
      %rev3A_67 = arith.constant 15 : i32
      %rev3A_68 = vector.broadcast %rev3A_67 : i32 to vector<16xi32>
      %rev3A_69 = tpu.iota {dimensions = array<i32: 0>} : vector<16xi32>
      %rev3A_70 = arith.subi %rev3A_68, %rev3A_69 : vector<16xi32>
      %rev3A_71 = tpu.dynamic_gather %masked_sort3A_44[%rev3A_70] in [0] : vector<16xi32>, vector<16xi32> -> vector<16xi32>
      %select_n3A_72 = arith.select %lt3A_21, %masked_sort3A_38, %rev3A_71 : vector<16xi1>, vector<16xi32>
      %masked_sort3A_73 = arith.constant dense<true> : vector<16xi1>
      %masked_sort3A_74, %masked_sort3A_75, %masked_sort3A_76 = tpu.sort %select_n3A, %select_n3A_72 masked %masked_sort3A_73 {descending = true} : (vector<16xf32>, vector<16xi32>, vector<16xi1>) -> (vector<16xi1>, vector<16xf32>, vector<16xi32>)
      %rev3A_77 = arith.constant 15 : i32
      %rev3A_78 = vector.broadcast %rev3A_77 : i32 to vector<16xi32>
      %rev3A_79 = tpu.iota {dimensions = array<i32: 0>} : vector<16xi32>
      %rev3A_80 = arith.subi %rev3A_78, %rev3A_79 : vector<16xi32>
      %rev3A_81 = tpu.dynamic_gather %masked_sort3A_61[%rev3A_80] in [0] : vector<16xf32>, vector<16xi32> -> vector<16xf32>
      %select_n3A_82 = arith.select %lt3A_21, %masked_sort3A_52, %rev3A_81 : vector<16xi1>, vector<16xf32>
      %rev3A_83 = arith.constant 15 : i32
      %rev3A_84 = vector.broadcast %rev3A_83 : i32 to vector<16xi32>
      %rev3A_85 = tpu.iota {dimensions = array<i32: 0>} : vector<16xi32>
      %rev3A_86 = arith.subi %rev3A_84, %rev3A_85 : vector<16xi32>
      %rev3A_87 = tpu.dynamic_gather %masked_sort3A_62[%rev3A_86] in [0] : vector<16xi32>, vector<16xi32> -> vector<16xi32>
      %select_n3A_88 = arith.select %lt3A_21, %masked_sort3A_53, %rev3A_87 : vector<16xi1>, vector<16xi32>
      %masked_sort3A_89 = arith.constant dense<true> : vector<16xi1>
      %masked_sort3A_90, %masked_sort3A_91, %masked_sort3A_92 = tpu.sort %select_n3A_82, %select_n3A_88 masked %masked_sort3A_89 {descending = true} : (vector<16xf32>, vector<16xi32>, vector<16xi1>) -> (vector<16xi1>, vector<16xf32>, vector<16xi32>)
      %rev3A_93 = arith.constant 15 : i32
      %rev3A_94 = vector.broadcast %rev3A_93 : i32 to vector<16xi32>
      %rev3A_95 = tpu.iota {dimensions = array<i32: 0>} : vector<16xi32>
      %rev3A_96 = arith.subi %rev3A_94, %rev3A_95 : vector<16xi32>
      %rev3A_97 = tpu.dynamic_gather %masked_sort3A_91[%rev3A_96] in [0] : vector<16xf32>, vector<16xi32> -> vector<16xf32>
      %select_n3A_98 = arith.select %lt3A_21, %masked_sort3A_75, %rev3A_97 : vector<16xi1>, vector<16xf32>
      %rev3A_99 = arith.constant 15 : i32
      %rev3A_100 = vector.broadcast %rev3A_99 : i32 to vector<16xi32>
      %rev3A_101 = tpu.iota {dimensions = array<i32: 0>} : vector<16xi32>
      %rev3A_102 = arith.subi %rev3A_100, %rev3A_101 : vector<16xi32>
      %rev3A_103 = tpu.dynamic_gather %masked_sort3A_92[%rev3A_102] in [0] : vector<16xi32>, vector<16xi32> -> vector<16xi32>
      %select_n3A_104 = arith.select %lt3A_21, %masked_sort3A_76, %rev3A_103 : vector<16xi1>, vector<16xi32>
      %masked_sort3A_105 = arith.constant dense<true> : vector<16xi1>
      %masked_sort3A_106, %masked_sort3A_107, %masked_sort3A_108 = tpu.sort %select_n3A_98, %select_n3A_104 masked %masked_sort3A_105 {descending = true} : (vector<16xf32>, vector<16xi32>, vector<16xi1>) -> (vector<16xi1>, vector<16xf32>, vector<16xi32>)
      %reduce_max3A = arith.constant true
      %reduce_max3A_109 = vector.broadcast %reduce_max3A : i1 to vector<16xi1>
      %reduce_max3A_110 = tpu.scan <max>, %masked_sort3A_107 masked %reduce_max3A_109 : vector<16xf32>, vector<16xi1> -> vector<16xf32>
      %reduce_max3A_111 = vector.extract %reduce_max3A_110[15] : f32 from vector<16xf32>
      %sub3A = vector.broadcast %reduce_max3A_111 : f32 to vector<16xf32>
      %sub3A_112 = arith.subf %masked_sort3A_107, %sub3A : vector<16xf32>
      %exp3A = math.exp %sub3A_112 : vector<16xf32>
      %jit3A = arith.constant 0.000000e+00 : f32
      %broadcast_in_dim3A = vector.broadcast %jit3A : f32 to vector<16xf32>
      %select_n3A_113 = arith.select %lt3A_21, %exp3A, %broadcast_in_dim3A : vector<16xi1>, vector<16xf32>
      %reduce_sum3A = arith.constant true
      %reduce_sum3A_114 = vector.broadcast %reduce_sum3A : i1 to vector<16xi1>
      %reduce_sum3A_115 = tpu.scan <sum>, %select_n3A_113 masked %reduce_sum3A_114 : vector<16xf32>, vector<16xi1> -> vector<16xf32>
      %reduce_sum3A_116 = vector.extract %reduce_sum3A_115[15] : f32 from vector<16xf32>
      %div3A = vector.broadcast %reduce_sum3A_116 : f32 to vector<16xf32>
      %div3A_117 = arith.divf %select_n3A_113, %div3A : vector<16xf32>
      %mul3A_118 = arith.constant 8 : i32
      %mul3A_119 = arith.muli %scan3A_17, %mul3A_118 : i32
      %multiple_of3A = tpu.assume_multiple %mul3A_119, 8 : i32
      %swap3A_120 = arith.index_cast %multiple_of3A : i32 to index
      %swap3A_121 = tpu.vector_load %arg6[%swap3A_120] {strides = array<i32>} : memref<2064xf32, #tpu.memory_space<vmem>>, vector<16xf32>,
      tpu.vector_store %arg6[%swap3A_120], %div3A_117 {strides = array<i32>} : memref<2064xf32, #tpu.memory_space<vmem>>, vector<16xf32>,
      %swap3A_122 = arith.index_cast %multiple_of3A : i32 to index
      %swap3A_123 = tpu.vector_load %arg7[%swap3A_122] {strides = array<i32>} : memref<2064xi32, #tpu.memory_space<vmem>>, vector<16xi32>,
      tpu.vector_store %arg7[%swap3A_122], %masked_sort3A_108 {strides = array<i32>} : memref<2064xi32, #tpu.memory_space<vmem>>, vector<16xi32>,
    }
    %scan3A_14 = arith.constant 256 : i32
    %mul3A_15 = arith.constant 8 : i32
    %mul3A_16 = arith.muli %mul3A_2, %mul3A_15 : i32
    "tpu.region"() ({
      %run_scoped3A = tpu.sem_alloc : memref<!tpu.dma_semaphore, #tpu.memory_space<semaphore_mem>>
      %dma_start3A = arith.constant 0 : i32
      %dma_start3A_17 = tpu.memref_slice %arg6[%dma_start3A] : memref<2064xf32, #tpu.memory_space<vmem>> -> memref<2048xf32, #tpu.memory_space<vmem>>
      %dma_start3A_18 = tpu.memref_slice %arg3[%mul3A_16] : memref<65536xf32, #tpu.memory_space<hbm>> -> memref<2048xf32, #tpu.memory_space<hbm>>
      %dma_start3A_19 = tpu.memref_slice %arg3[%mul3A_16] : memref<65536xf32, #tpu.memory_space<hbm>> -> memref<2048xf32, #tpu.memory_space<hbm>>
      %dma_start3A_20 = arith.constant 0 : i32
      %dma_start3A_21 = tpu.memref_slice %arg6[%dma_start3A_20] : memref<2064xf32, #tpu.memory_space<vmem>> -> memref<2048xf32, #tpu.memory_space<vmem>>
      tpu.enqueue_dma source(%dma_start3A_21 : memref<2048xf32, #tpu.memory_space<vmem>>) target(%dma_start3A_19 : memref<2048xf32, #tpu.memory_space<hbm>>) target_semaphore(%run_scoped3A : memref<!tpu.dma_semaphore, #tpu.memory_space<semaphore_mem>>)
      %dma_wait3A = arith.constant 0 : i32
      %dma_wait3A_22 = tpu.memref_slice %arg6[%dma_wait3A] : memref<2064xf32, #tpu.memory_space<vmem>> -> memref<2048xf32, #tpu.memory_space<vmem>>
      %dma_wait3A_23 = tpu.memref_slice %arg3[%mul3A_16] : memref<65536xf32, #tpu.memory_space<hbm>> -> memref<2048xf32, #tpu.memory_space<hbm>>
      %dma_wait3A_24 = tpu.memref_slice %arg3[%mul3A_16] : memref<65536xf32, #tpu.memory_space<hbm>> -> memref<2048xf32, #tpu.memory_space<hbm>>
      %dma_wait3A_25 = arith.constant 0 : i32
      %dma_wait3A_26 = tpu.memref_slice %arg6[%dma_wait3A_25] : memref<2064xf32, #tpu.memory_space<vmem>> -> memref<2048xf32, #tpu.memory_space<vmem>>
      tpu.wait_dma2 semaphore(%run_scoped3A : memref<!tpu.dma_semaphore, #tpu.memory_space<semaphore_mem>>) src(%dma_wait3A_26 : memref<2048xf32, #tpu.memory_space<vmem>>) dst(%dma_wait3A_24 : memref<2048xf32, #tpu.memory_space<hbm>>)
      tpu.yield
    }) : () -> ()
    "tpu.region"() ({
      %run_scoped3A = tpu.sem_alloc : memref<!tpu.dma_semaphore, #tpu.memory_space<semaphore_mem>>
      %dma_start3A = arith.constant 0 : i32
      %dma_start3A_17 = tpu.memref_slice %arg7[%dma_start3A] : memref<2064xi32, #tpu.memory_space<vmem>> -> memref<2048xi32, #tpu.memory_space<vmem>>
      %dma_start3A_18 = tpu.memref_slice %arg4[%mul3A_16] : memref<65536xi32, #tpu.memory_space<hbm>> -> memref<2048xi32, #tpu.memory_space<hbm>>
      %dma_start3A_19 = tpu.memref_slice %arg4[%mul3A_16] : memref<65536xi32, #tpu.memory_space<hbm>> -> memref<2048xi32, #tpu.memory_space<hbm>>
      %dma_start3A_20 = arith.constant 0 : i32
      %dma_start3A_21 = tpu.memref_slice %arg7[%dma_start3A_20] : memref<2064xi32, #tpu.memory_space<vmem>> -> memref<2048xi32, #tpu.memory_space<vmem>>
      tpu.enqueue_dma source(%dma_start3A_21 : memref<2048xi32, #tpu.memory_space<vmem>>) target(%dma_start3A_19 : memref<2048xi32, #tpu.memory_space<hbm>>) target_semaphore(%run_scoped3A : memref<!tpu.dma_semaphore, #tpu.memory_space<semaphore_mem>>)
      %dma_wait3A = arith.constant 0 : i32
      %dma_wait3A_22 = tpu.memref_slice %arg7[%dma_wait3A] : memref<2064xi32, #tpu.memory_space<vmem>> -> memref<2048xi32, #tpu.memory_space<vmem>>
      %dma_wait3A_23 = tpu.memref_slice %arg4[%mul3A_16] : memref<65536xi32, #tpu.memory_space<hbm>> -> memref<2048xi32, #tpu.memory_space<hbm>>
      %dma_wait3A_24 = tpu.memref_slice %arg4[%mul3A_16] : memref<65536xi32, #tpu.memory_space<hbm>> -> memref<2048xi32, #tpu.memory_space<hbm>>
      %dma_wait3A_25 = arith.constant 0 : i32
      %dma_wait3A_26 = tpu.memref_slice %arg7[%dma_wait3A_25] : memref<2064xi32, #tpu.memory_space<vmem>> -> memref<2048xi32, #tpu.memory_space<vmem>>
      tpu.wait_dma2 semaphore(%run_scoped3A : memref<!tpu.dma_semaphore, #tpu.memory_space<semaphore_mem>>) src(%dma_wait3A_26 : memref<2048xi32, #tpu.memory_space<vmem>>) dst(%dma_wait3A_24 : memref<2048xi32, #tpu.memory_space<hbm>>)
      tpu.yield
    }) : () -> ()
    return
  }
}

module attributes {stable_mosaic.version = 14 : i64} {
  func.func @_mlp_kernel(%arg0: i32, %arg1: memref<1024x2048xf32, #tpu.memory_space<vmem>>, %arg2: memref<2048x128xf32, #tpu.memory_space<vmem>>, %arg3: memref<1x128xf32, #tpu.memory_space<vmem>>, %arg4: memref<1x128xf32, #tpu.memory_space<vmem>>, %arg5: memref<1x128xf32, #tpu.memory_space<vmem>>, %arg6: memref<128x32xf32, #tpu.memory_space<vmem>>, %arg7: memref<1x32xf32, #tpu.memory_space<vmem>>, %arg8: memref<1x32xf32, #tpu.memory_space<vmem>>, %arg9: memref<1x32xf32, #tpu.memory_space<vmem>>, %arg10: memref<32x64xf32, #tpu.memory_space<vmem>>, %arg11: memref<1024x64xf32, #tpu.memory_space<vmem>>) attributes {dimension_semantics = [#tpu.dimension_semantics<arbitrary>], iteration_bounds = array<i64: 8>, scalar_prefetch = 0 : i64, scratch_operands = 0 : i64, tpu.core_type = #tpu.core_type<tc>, window_params = [{transform_indices = @transform_0, window_bounds = array<i64: 1024, 2048>}, {pipeline_mode = #tpu.pipeline_mode<synchronous>, transform_indices = @transform_1, window_bounds = array<i64: 2048, 128>}, {pipeline_mode = #tpu.pipeline_mode<synchronous>, transform_indices = @transform_2, window_bounds = array<i64: 1, 128>}, {pipeline_mode = #tpu.pipeline_mode<synchronous>, transform_indices = @transform_3, window_bounds = array<i64: 1, 128>}, {pipeline_mode = #tpu.pipeline_mode<synchronous>, transform_indices = @transform_4, window_bounds = array<i64: 1, 128>}, {pipeline_mode = #tpu.pipeline_mode<synchronous>, transform_indices = @transform_5, window_bounds = array<i64: 128, 32>}, {pipeline_mode = #tpu.pipeline_mode<synchronous>, transform_indices = @transform_6, window_bounds = array<i64: 1, 32>}, {pipeline_mode = #tpu.pipeline_mode<synchronous>, transform_indices = @transform_7, window_bounds = array<i64: 1, 32>}, {pipeline_mode = #tpu.pipeline_mode<synchronous>, transform_indices = @transform_8, window_bounds = array<i64: 1, 32>}, {pipeline_mode = #tpu.pipeline_mode<synchronous>, transform_indices = @transform_9, window_bounds = array<i64: 32, 64>}, {transform_indices = @transform_10, window_bounds = array<i64: 1024, 64>}]} {
    %get3A = arith.constant 0 : index
    %get3A_0 = arith.constant 0 : index
    %get3A_1 = vector.load %arg1[%get3A, %get3A_0] : memref<1024x2048xf32, #tpu.memory_space<vmem>>, vector<1024x2048xf32>
    %get3A_2 = arith.constant 0 : index
    %get3A_3 = arith.constant 0 : index
    %get3A_4 = vector.load %arg2[%get3A_2, %get3A_3] : memref<2048x128xf32, #tpu.memory_space<vmem>>, vector<2048x128xf32>
    %dot_general3A = arith.constant dense<0.000000e+00> : vector<1024x128xf32>
    %dot_general3A_5 = tpu.matmul %get3A_1, %get3A_4, %dot_general3A {dimension_numbers = #tpu.dot_dimension_numbers<[1], [0], [0], [1], [0, 0, 1, 1], [], []>, transpose_lhs_hint = false} : vector<1024x2048xf32>, vector<2048x128xf32>, vector<1024x128xf32> -> vector<1024x128xf32>
    %get3A_6 = arith.constant 0 : index
    %get3A_7 = arith.constant 0 : index
    %get3A_8 = vector.load %arg3[%get3A_6, %get3A_7] : memref<1x128xf32, #tpu.memory_space<vmem>>, vector<1x128xf32>
    %add3A = vector.broadcast %get3A_8 : vector<1x128xf32> to vector<1024x128xf32>
    %add3A_9 = arith.addf %dot_general3A_5, %add3A : vector<1024x128xf32>
    %get3A_10 = arith.constant 0 : index
    %get3A_11 = arith.constant 0 : index
    %get3A_12 = vector.load %arg4[%get3A_10, %get3A_11] : memref<1x128xf32, #tpu.memory_space<vmem>>, vector<1x128xf32>
    %get3A_13 = arith.constant 0 : index
    %get3A_14 = arith.constant 0 : index
    %get3A_15 = vector.load %arg5[%get3A_13, %get3A_14] : memref<1x128xf32, #tpu.memory_space<vmem>>, vector<1x128xf32>
    %reduce_sum3A = arith.constant dense<0.000000e+00> : vector<1024xf32>
    %reduce_sum3A_16 = vector.multi_reduction <add>, %add3A_9, %reduce_sum3A [1] : vector<1024x128xf32> to vector<1024xf32>
    %broadcast_in_dim3A = vector.shape_cast %reduce_sum3A_16 : vector<1024xf32> to vector<1024x1xf32>
    %div3A = arith.constant 1.280000e+02 : f32
    %div3A_17 = vector.broadcast %div3A : f32 to vector<1024x1xf32>
    %div3A_18 = arith.divf %broadcast_in_dim3A, %div3A_17 : vector<1024x1xf32>
    %jit3A = arith.constant 0 : i32
    %reduce_sum3A_19 = arith.constant dense<0.000000e+00> : vector<1024xf32>
    %reduce_sum3A_20 = vector.multi_reduction <add>, %add3A_9, %reduce_sum3A_19 [1] : vector<1024x128xf32> to vector<1024xf32>
    %broadcast_in_dim3A_21 = vector.shape_cast %reduce_sum3A_20 : vector<1024xf32> to vector<1024x1xf32>
    %div3A_22 = arith.constant 1.280000e+02 : f32
    %div3A_23 = vector.broadcast %div3A_22 : f32 to vector<1024x1xf32>
    %div3A_24 = arith.divf %broadcast_in_dim3A_21, %div3A_23 : vector<1024x1xf32>
    %sub3A = vector.broadcast %div3A_24 : vector<1024x1xf32> to vector<1024x128xf32>
    %sub3A_25 = arith.subf %add3A_9, %sub3A : vector<1024x128xf32>
    %square3A = arith.mulf %sub3A_25, %sub3A_25 : vector<1024x128xf32>
    %convert_element_type3A = arith.sitofp %jit3A : i32 to f32
    %sub3A_26 = arith.constant 1.280000e+02 : f32
    %sub3A_27 = arith.subf %sub3A_26, %convert_element_type3A : f32
    %reduce_sum3A_28 = arith.constant dense<0.000000e+00> : vector<1024xf32>
    %reduce_sum3A_29 = vector.multi_reduction <add>, %square3A, %reduce_sum3A_28 [1] : vector<1024x128xf32> to vector<1024xf32>
    %broadcast_in_dim3A_30 = vector.shape_cast %reduce_sum3A_29 : vector<1024xf32> to vector<1024x1xf32>
    %div3A_31 = vector.broadcast %sub3A_27 : f32 to vector<1024x1xf32>
    %div3A_32 = arith.divf %broadcast_in_dim3A_30, %div3A_31 : vector<1024x1xf32>
    %gt3A = arith.constant 0.000000e+00 : f32
    %gt3A_33 = arith.cmpf ogt, %sub3A_27, %gt3A : f32
    %jit3A_34 = arith.constant 0x7FC00000 : f32
    %broadcast_in_dim3A_35 = vector.broadcast %jit3A_34 : f32 to vector<1024x1xf32>
    %select_n3A = arith.select %gt3A_33, %div3A_32, %broadcast_in_dim3A_35 : vector<1024x1xf32>
    %sub3A_36 = vector.broadcast %div3A_18 : vector<1024x1xf32> to vector<1024x128xf32>
    %sub3A_37 = arith.subf %add3A_9, %sub3A_36 : vector<1024x128xf32>
    %add3A_38 = arith.constant 9.99999974E-6 : f32
    %add3A_39 = vector.broadcast %add3A_38 : f32 to vector<1024x1xf32>
    %add3A_40 = arith.addf %select_n3A, %add3A_39 : vector<1024x1xf32>
    %sqrt3A = math.sqrt %add3A_40 : vector<1024x1xf32>
    %div3A_41 = vector.broadcast %sqrt3A : vector<1024x1xf32> to vector<1024x128xf32>
    %div3A_42 = arith.divf %sub3A_37, %div3A_41 : vector<1024x128xf32>
    %mul3A = vector.broadcast %get3A_12 : vector<1x128xf32> to vector<1024x128xf32>
    %mul3A_43 = arith.mulf %div3A_42, %mul3A : vector<1024x128xf32>
    %add3A_44 = vector.broadcast %get3A_15 : vector<1x128xf32> to vector<1024x128xf32>
    %add3A_45 = arith.addf %mul3A_43, %add3A_44 : vector<1024x128xf32>
    %mul3A_46 = arith.constant 5.000000e-01 : f32
    %mul3A_47 = vector.broadcast %mul3A_46 : f32 to vector<1024x128xf32>
    %mul3A_48 = arith.mulf %add3A_45, %mul3A_47 : vector<1024x128xf32>
    %mul3A_49 = arith.constant 0.707106769 : f32
    %mul3A_50 = vector.broadcast %mul3A_49 : f32 to vector<1024x128xf32>
    %mul3A_51 = arith.mulf %add3A_45, %mul3A_50 : vector<1024x128xf32>
    %erf3A = math.erf %mul3A_51 : vector<1024x128xf32>
    %add3A_52 = arith.constant 1.000000e+00 : f32
    %add3A_53 = vector.broadcast %add3A_52 : f32 to vector<1024x128xf32>
    %add3A_54 = arith.addf %add3A_53, %erf3A : vector<1024x128xf32>
    %mul3A_55 = arith.mulf %mul3A_48, %add3A_54 : vector<1024x128xf32>
    %get3A_56 = arith.constant 0 : index
    %get3A_57 = arith.constant 0 : index
    %get3A_58 = vector.load %arg6[%get3A_56, %get3A_57] : memref<128x32xf32, #tpu.memory_space<vmem>>, vector<128x32xf32>
    %dot_general3A_59 = arith.constant dense<0.000000e+00> : vector<1024x32xf32>
    %dot_general3A_60 = tpu.matmul %mul3A_55, %get3A_58, %dot_general3A_59 {dimension_numbers = #tpu.dot_dimension_numbers<[1], [0], [0], [1], [0, 0, 1, 1], [], []>, transpose_lhs_hint = false} : vector<1024x128xf32>, vector<128x32xf32>, vector<1024x32xf32> -> vector<1024x32xf32>
    %get3A_61 = arith.constant 0 : index
    %get3A_62 = arith.constant 0 : index
    %get3A_63 = vector.load %arg7[%get3A_61, %get3A_62] : memref<1x32xf32, #tpu.memory_space<vmem>>, vector<1x32xf32>
    %add3A_64 = vector.broadcast %get3A_63 : vector<1x32xf32> to vector<1024x32xf32>
    %add3A_65 = arith.addf %dot_general3A_60, %add3A_64 : vector<1024x32xf32>
    %get3A_66 = arith.constant 0 : index
    %get3A_67 = arith.constant 0 : index
    %get3A_68 = vector.load %arg8[%get3A_66, %get3A_67] : memref<1x32xf32, #tpu.memory_space<vmem>>, vector<1x32xf32>
    %get3A_69 = arith.constant 0 : index
    %get3A_70 = arith.constant 0 : index
    %get3A_71 = vector.load %arg9[%get3A_69, %get3A_70] : memref<1x32xf32, #tpu.memory_space<vmem>>, vector<1x32xf32>
    %reduce_sum3A_72 = arith.constant dense<0.000000e+00> : vector<1024xf32>
    %reduce_sum3A_73 = vector.multi_reduction <add>, %add3A_65, %reduce_sum3A_72 [1] : vector<1024x32xf32> to vector<1024xf32>
    %broadcast_in_dim3A_74 = vector.shape_cast %reduce_sum3A_73 : vector<1024xf32> to vector<1024x1xf32>
    %div3A_75 = arith.constant 3.200000e+01 : f32
    %div3A_76 = vector.broadcast %div3A_75 : f32 to vector<1024x1xf32>
    %div3A_77 = arith.divf %broadcast_in_dim3A_74, %div3A_76 : vector<1024x1xf32>
    %jit3A_78 = arith.constant 0 : i32
    %reduce_sum3A_79 = arith.constant dense<0.000000e+00> : vector<1024xf32>
    %reduce_sum3A_80 = vector.multi_reduction <add>, %add3A_65, %reduce_sum3A_79 [1] : vector<1024x32xf32> to vector<1024xf32>
    %broadcast_in_dim3A_81 = vector.shape_cast %reduce_sum3A_80 : vector<1024xf32> to vector<1024x1xf32>
    %div3A_82 = arith.constant 3.200000e+01 : f32
    %div3A_83 = vector.broadcast %div3A_82 : f32 to vector<1024x1xf32>
    %div3A_84 = arith.divf %broadcast_in_dim3A_81, %div3A_83 : vector<1024x1xf32>
    %sub3A_85 = vector.broadcast %div3A_84 : vector<1024x1xf32> to vector<1024x32xf32>
    %sub3A_86 = arith.subf %add3A_65, %sub3A_85 : vector<1024x32xf32>
    %square3A_87 = arith.mulf %sub3A_86, %sub3A_86 : vector<1024x32xf32>
    %convert_element_type3A_88 = arith.sitofp %jit3A_78 : i32 to f32
    %sub3A_89 = arith.constant 3.200000e+01 : f32
    %sub3A_90 = arith.subf %sub3A_89, %convert_element_type3A_88 : f32
    %reduce_sum3A_91 = arith.constant dense<0.000000e+00> : vector<1024xf32>
    %reduce_sum3A_92 = vector.multi_reduction <add>, %square3A_87, %reduce_sum3A_91 [1] : vector<1024x32xf32> to vector<1024xf32>
    %broadcast_in_dim3A_93 = vector.shape_cast %reduce_sum3A_92 : vector<1024xf32> to vector<1024x1xf32>
    %div3A_94 = vector.broadcast %sub3A_90 : f32 to vector<1024x1xf32>
    %div3A_95 = arith.divf %broadcast_in_dim3A_93, %div3A_94 : vector<1024x1xf32>
    %gt3A_96 = arith.constant 0.000000e+00 : f32
    %gt3A_97 = arith.cmpf ogt, %sub3A_90, %gt3A_96 : f32
    %jit3A_98 = arith.constant 0x7FC00000 : f32
    %broadcast_in_dim3A_99 = vector.broadcast %jit3A_98 : f32 to vector<1024x1xf32>
    %select_n3A_100 = arith.select %gt3A_97, %div3A_95, %broadcast_in_dim3A_99 : vector<1024x1xf32>
    %sub3A_101 = vector.broadcast %div3A_77 : vector<1024x1xf32> to vector<1024x32xf32>
    %sub3A_102 = arith.subf %add3A_65, %sub3A_101 : vector<1024x32xf32>
    %add3A_103 = arith.constant 9.99999974E-6 : f32
    %add3A_104 = vector.broadcast %add3A_103 : f32 to vector<1024x1xf32>
    %add3A_105 = arith.addf %select_n3A_100, %add3A_104 : vector<1024x1xf32>
    %sqrt3A_106 = math.sqrt %add3A_105 : vector<1024x1xf32>
    %div3A_107 = vector.broadcast %sqrt3A_106 : vector<1024x1xf32> to vector<1024x32xf32>
    %div3A_108 = arith.divf %sub3A_102, %div3A_107 : vector<1024x32xf32>
    %mul3A_109 = vector.broadcast %get3A_68 : vector<1x32xf32> to vector<1024x32xf32>
    %mul3A_110 = arith.mulf %div3A_108, %mul3A_109 : vector<1024x32xf32>
    %add3A_111 = vector.broadcast %get3A_71 : vector<1x32xf32> to vector<1024x32xf32>
    %add3A_112 = arith.addf %mul3A_110, %add3A_111 : vector<1024x32xf32>
    %mul3A_113 = arith.constant 5.000000e-01 : f32
    %mul3A_114 = vector.broadcast %mul3A_113 : f32 to vector<1024x32xf32>
    %mul3A_115 = arith.mulf %add3A_112, %mul3A_114 : vector<1024x32xf32>
    %mul3A_116 = arith.constant 0.707106769 : f32
    %mul3A_117 = vector.broadcast %mul3A_116 : f32 to vector<1024x32xf32>
    %mul3A_118 = arith.mulf %add3A_112, %mul3A_117 : vector<1024x32xf32>
    %erf3A_119 = math.erf %mul3A_118 : vector<1024x32xf32>
    %add3A_120 = arith.constant 1.000000e+00 : f32
    %add3A_121 = vector.broadcast %add3A_120 : f32 to vector<1024x32xf32>
    %add3A_122 = arith.addf %add3A_121, %erf3A_119 : vector<1024x32xf32>
    %mul3A_123 = arith.mulf %mul3A_115, %add3A_122 : vector<1024x32xf32>
    %get3A_124 = arith.constant 0 : index
    %get3A_125 = arith.constant 0 : index
    %get3A_126 = vector.load %arg10[%get3A_124, %get3A_125] : memref<32x64xf32, #tpu.memory_space<vmem>>, vector<32x64xf32>
    %dot_general3A_127 = arith.constant dense<0.000000e+00> : vector<1024x64xf32>
    %dot_general3A_128 = tpu.matmul %mul3A_123, %get3A_126, %dot_general3A_127 {dimension_numbers = #tpu.dot_dimension_numbers<[1], [0], [0], [1], [0, 0, 1, 1], [], []>, transpose_lhs_hint = false} : vector<1024x32xf32>, vector<32x64xf32>, vector<1024x64xf32> -> vector<1024x64xf32>
    %swap3A = arith.constant 0 : index
    %swap3A_129 = arith.constant 0 : index
    %swap3A_130 = vector.load %arg11[%swap3A, %swap3A_129] : memref<1024x64xf32, #tpu.memory_space<vmem>>, vector<1024x64xf32>
    tpu.vector_store %arg11[%swap3A, %swap3A_129], %dot_general3A_128 {strides = array<i32>} : memref<1024x64xf32, #tpu.memory_space<vmem>>, vector<1024x64xf32>,
    return
  }
  func.func @transform_0(%arg0: i32) -> (i32, i32) {
    %c0_i32 = arith.constant 0 : i32
    %c0_i32_0 = arith.constant 0 : i32
    return %arg0, %c0_i32 : i32, i32
  }
  func.func @transform_1(%arg0: i32) -> (i32, i32) {
    %c0_i32 = arith.constant 0 : i32
    %c0_i32_0 = arith.constant 0 : i32
    %c0_i32_1 = arith.constant 0 : i32
    return %c0_i32, %c0_i32_0 : i32, i32
  }
  func.func @transform_2(%arg0: i32) -> (i32, i32) {
    %c0_i32 = arith.constant 0 : i32
    %c0_i32_0 = arith.constant 0 : i32
    %c0_i32_1 = arith.constant 0 : i32
    return %c0_i32, %c0_i32_0 : i32, i32
  }
  func.func @transform_3(%arg0: i32) -> (i32, i32) {
    %c0_i32 = arith.constant 0 : i32
    %c0_i32_0 = arith.constant 0 : i32
    %c0_i32_1 = arith.constant 0 : i32
    return %c0_i32, %c0_i32_0 : i32, i32
  }
  func.func @transform_4(%arg0: i32) -> (i32, i32) {
    %c0_i32 = arith.constant 0 : i32
    %c0_i32_0 = arith.constant 0 : i32
    %c0_i32_1 = arith.constant 0 : i32
    return %c0_i32, %c0_i32_0 : i32, i32
  }
  func.func @transform_5(%arg0: i32) -> (i32, i32) {
    %c0_i32 = arith.constant 0 : i32
    %c0_i32_0 = arith.constant 0 : i32
    %c0_i32_1 = arith.constant 0 : i32
    return %c0_i32, %c0_i32_0 : i32, i32
  }
  func.func @transform_6(%arg0: i32) -> (i32, i32) {
    %c0_i32 = arith.constant 0 : i32
    %c0_i32_0 = arith.constant 0 : i32
    %c0_i32_1 = arith.constant 0 : i32
    return %c0_i32, %c0_i32_0 : i32, i32
  }
  func.func @transform_7(%arg0: i32) -> (i32, i32) {
    %c0_i32 = arith.constant 0 : i32
    %c0_i32_0 = arith.constant 0 : i32
    %c0_i32_1 = arith.constant 0 : i32
    return %c0_i32, %c0_i32_0 : i32, i32
  }
  func.func @transform_8(%arg0: i32) -> (i32, i32) {
    %c0_i32 = arith.constant 0 : i32
    %c0_i32_0 = arith.constant 0 : i32
    %c0_i32_1 = arith.constant 0 : i32
    return %c0_i32, %c0_i32_0 : i32, i32
  }
  func.func @transform_9(%arg0: i32) -> (i32, i32) {
    %c0_i32 = arith.constant 0 : i32
    %c0_i32_0 = arith.constant 0 : i32
    %c0_i32_1 = arith.constant 0 : i32
    return %c0_i32, %c0_i32_0 : i32, i32
  }
  func.func @transform_10(%arg0: i32) -> (i32, i32) {
    %c0_i32 = arith.constant 0 : i32
    %c0_i32_0 = arith.constant 0 : i32
    return %arg0, %c0_i32 : i32, i32
  }
}

</mosaic_0001>

<sc_bundles>
// kernel: kernel.4.cloned.1.call-start
scs
__scs_entry_jumppad:
0x0: {  	(pc) =	sbr.rel $0x88, $3  }
0x1: {  	(tag) =	ssettag $0x0;
	lr =	simm.s32 $0x1  }
0x2: {  	[smem:$0x3F97] =	sst lr;
	_ =	strace $0xD0000000  }
0x3: {  	_ = 	snop  }
0x4: {  	_ = 	snop  }
0x5: {  	_ = 	snop  }
0x6: {  	_ = 	snop  }
0x7: {  	_ = 	snop  }
__scs_overlays_trampoline_lowered:
0x8: {  	[smem:$0x3FA6] =	sst s0  }
0x9: {  	[smem:$0x3FA7] =	sst s1  }
0xa: {  	[smem:$0x3FA8] =	sst s2  }
0xb: {  	[smem:$0x3FA9] =	sst s3  }
0xc: {  	[smem:$0x3FAA] =	sst s4  }
0xd: {  	[smem:$0x3FAB] =	sst s5  }
0xe: {  	[smem:$0x3FAC] =	sst s6  }
0xf: {  	[smem:$0x3FAD] =	sst s7  }
0x10: {  	[smem:$0x3FAE] =	sst s8  }
0x11: {  	[smem:$0x3FAF] =	sst s9;
	s0 =	simm.s32 @!p0 $0x0  }
0x12: {  	s1 =	sld [smem:$0x3F95];
	s0 =	simm.s32 @p0 $0x1  }
0x13: {  	[smem:$0x3FB0] =	sst s0;
	s0 =	simm.s32 @!p1 $0x0  }
0x14: {  	s2 =	sld [smem:$0x3F94];
	s0 =	simm.s32 @p1 $0x1  }
0x15: {  	[smem:$0x3FB1] =	sst s0;
	s0 =	simm.s32 @!p2 $0x0  }
0x16: {  	s3 =	sld [smem:$0x3FDB];
	s0 =	simm.s32 @p2 $0x1  }
0x17: {  	s4 =	simm.s32 $0x1BF5;
	[smem:$0x3FB3] =	sst s0  }
0x18: {  	s0 =	sld [smem:$0x3F96];
	_ =	swait.ge [sflag:s4], $0x0  }
0x19: {  	s7 =	sld [smem:$0x3F97]  }
0x1a: {  	s8 =	sadd.s32 $0xFFFFE003, lr  }
0x1b: {  	s9 =	sadd.s32 $0xFFFFFEF7, lr;
	s5 =	simm.s32 $0xFFFFFFFF;
	p2 =	slt.u32 s8, $0xFFFFF086  }
0x1c: {  	p1 =	slt.u32 s9, $0xF7A;
	s5 =	simm.s32 @!p2 $0x0  }
0x1d: {  	s5 =	simm.s32 @p1 $0x1;
	p0 =	seq.s32 s7, s2  }
0x1e: {  	s7 =	smul.u32 @!p0 $0xF7A, s2;
	p2 =	seq.s32 @!p0 s5, $0x0  }
0x1f: {  	s9 =	smul.u32 $0xF7A, s1;
	s8 =	simm.s32 @!p0 $0x1BF5;
	p2 =	por !p2, p0  }
0x20: {  	[sflag:s8] =	ssyncset.s32 @!p0 $0xFFFFF086;
	s6 =	sadd.s32 @!p0 s3, s7;
	s7 =	simm.s32 @!p0 $0x108  }
0x21: {  	s3 =	sadd.s32 s3, s9;
	s6 =	sadd.s32 @!p0 $0x88, s6;
	s7 =	simm.s32 @p2 $0x1082  }
0x22: {  	[simem:s7], [sflag:s8] =	dma.local @!p0 [hbm:s6], $0xF7A  }
0x23: {  	s9 =	sor.u32 $0xD0000000, s2;
	s6 =	simm.s32 $0x108;
	_ =	swait.ge @!p0 [sflag:s8], $0x0  }
0x24: {  	s3 =	sadd.s32 $0x88, s3;
	s6 =	simm.s32 @!p1 $0x1082;
	[sflag:s4] =	ssyncset.s32 $0xFFFFF086  }
0x25: {  	[simem:s6], [sflag:s4] =	dma.local [hbm:s3], $0xF7A  }
0x26: {  	[smem:$0x3F97] =	sst s1;
	(tag) =	ssettag s2;
	_ =	strace s9  }
0x27: {  	s1 =	sld [smem:$0x3FA7]  }
0x28: {  	s2 =	sld [smem:$0x3FA8]  }
0x29: {  	s4 =	sld [smem:$0x3FAA]  }
0x2a: {  	p0 =	seq.s32 s5, $0x0;
	s5 =	sld [smem:$0x3FAB]  }
0x2b: {  	s6 =	sld [smem:$0x3FAC]  }
0x2c: {  	s7 =	sld [smem:$0x3FAD]  }
0x2d: {  	s3 =	simm.s32 $0x108;
	s8 =	sld [smem:$0x3FAE]  }
0x2e: {  	s3 =	simm.s32 @!p0 $0x1082;
	s9 =	sld [smem:$0x3FAF]  }
0x2f: {  	lr =	sadd.s32 s0, s3;
	s0 =	sld [smem:$0x3FA6]  }
0x30: {  	s3 =	sld [smem:$0x3FA9]  }
0x31: {  	[smem:$0x3FB2] =	sst s10  }
0x32: {  	s10 =	sld [smem:$0x3FB0];
	_ =	sdelay $0x3  }
0x33: {  	p0 =	seq.s32 s10, $0x1;
	s10 =	sld [smem:$0x3FB2];
	_ =	sdelay $0x3  }
0x34: {  	[smem:$0x3FB2] =	sst s10  }
0x35: {  	s10 =	sld [smem:$0x3FB1];
	_ =	sdelay $0x3  }
0x36: {  	p1 =	seq.s32 s10, $0x1;
	s10 =	sld [smem:$0x3FB2];
	_ =	sdelay $0x3  }
0x37: {  	[smem:$0x3FB2] =	sst s10  }
0x38: {  	s10 =	sld [smem:$0x3FB3]  }
0x39: {  	_ = 	snop;
	(pc) =	sbr.ind lr, $3  }
0x3a: {  	_ = 	snop  }
0x3b: {  	_ = 	snop  }
0x3c: {  	p2 =	seq.s32 s10, $0x1;
	s10 =	sld [smem:$0x3FB2]  }
0x3d: {  	_ =	shalt  }
0x3e: {  	_ =	shalt  }
0x3f: {  	_ =	shalt  }
0x40: {  	_ =	shalt  }
0x41: {  	_ =	shalt  }
0x42: {  	_ =	shalt  }
0x43: {  	_ =	shalt  }
0x44: {  	_ =	shalt  }
0x45: {  	_ =	shalt  }
0x46: {  	_ =	shalt  }
0x47: {  	_ =	shalt  }
0x48: {  	_ =	shalt  }
0x49: {  	_ =	shalt  }
0x4a: {  	_ =	shalt  }
0x4b: {  	_ =	shalt  }
0x4c: {  	_ =	shalt  }
0x4d: {  	_ =	shalt  }
0x4e: {  	_ =	shalt  }
0x4f: {  	_ =	shalt  }
0x50: {  	_ =	shalt  }
0x51: {  	_ =	shalt  }
0x52: {  	_ =	shalt  }
0x53: {  	_ =	shalt  }
0x54: {  	_ =	shalt  }
0x55: {  	_ =	shalt  }
0x56: {  	_ =	shalt  }
0x57: {  	_ =	shalt  }
0x58: {  	_ =	shalt  }
0x59: {  	_ =	shalt  }
0x5a: {  	_ =	shalt  }
0x5b: {  	_ =	shalt  }
0x5c: {  	_ =	shalt  }
0x5d: {  	_ =	shalt  }
0x5e: {  	_ =	shalt  }
0x5f: {  	_ =	shalt  }
0x60: {  	_ =	shalt  }
0x61: {  	_ =	shalt  }
0x62: {  	_ =	shalt  }
0x63: {  	_ =	shalt  }
0x64: {  	_ =	shalt  }
0x65: {  	_ =	shalt  }
0x66: {  	_ =	shalt  }
0x67: {  	_ =	shalt  }
0x68: {  	_ =	shalt  }
0x69: {  	_ =	shalt  }
0x6a: {  	_ =	shalt  }
0x6b: {  	_ =	shalt  }
0x6c: {  	_ =	shalt  }
0x6d: {  	_ =	shalt  }
0x6e: {  	_ =	shalt  }
0x6f: {  	_ =	shalt  }
0x70: {  	_ =	shalt  }
0x71: {  	_ =	shalt  }
0x72: {  	_ =	shalt  }
0x73: {  	_ =	shalt  }
0x74: {  	_ =	shalt  }
0x75: {  	_ =	shalt  }
0x76: {  	_ =	shalt  }
0x77: {  	_ =	shalt  }
0x78: {  	_ =	shalt  }
0x79: {  	_ =	shalt  }
0x7a: {  	_ =	shalt  }
0x7b: {  	_ =	shalt  }
0x7c: {  	_ =	shalt  }
0x7d: {  	_ =	shalt  }
0x7e: {  	_ =	shalt  }
0x7f: {  	_ =	shalt  }
0x80: {  	_ =	shalt  }
0x81: {  	_ =	shalt  }
0x82: {  	_ =	shalt  }
0x83: {  	_ =	shalt  }
0x84: {  	_ =	shalt  }
0x85: {  	_ =	shalt  }
0x86: {  	_ =	shalt  }
0x87: {  	_ =	shalt  }
.Lfunc_end0:
.L_simem_size_0:
called_computation_lowered:
.L_overlay_start_0:
0x88: {  	s2 =	sld [smem:$0x3FD9]  }
0x89: {  	s3 =	sld [smem:$0x3FFE];
	_ =	sdelay $0x1  }
0x8a: {  	s1 =	srdreg.scid  }
0x8b: {  	s0 =	sand.u32 $0x1, s1  }
0x8c: {  	s14 =	sshll.u32 s0, $0xA;
	s2 =	sadd.s32 s3, s2  }
0x8d: {  	s2 =	sadd.s32 s2, s14  }
0x8e: {  	[smem:$0x3FBE] =	sst s2  }
0x8f: {  	_ = 	snop  }
0x90: {  	s2 =	sld [smem:$0x3FD0];
	_ =	sdelay $0x2  }
0x91: {  	s15 =	simm.s32 $0xA;
	s4 =	simm.s32 $0x10  }
0x92: {  	[smem:s4], [sflag:s15] =	dma.local [hbm:s2], $0x1  }
0x93: {  	_ =	swait.eq [sflag:s15], $0x1  }
0x94: {  	[sflag:s15] =	ssyncset.done $0x0  }
0x95: {  	[sflag:s15] =	ssyncadd.s32 $0xFFFFFFFF  }
0x96: {  	s16 =	sld [smem:$0x11];
	(tm) =	ssettm $0x1  }
0x97: {  	s17 =	sld [smem:$0x3FFB];
	_ =	sdelay $0x3  }
0x98: {  	_ =	strace s17  }
0x99: {  	s3 =	sld [smem:$0x3FFC];
	_ =	sdelay $0x3  }
0x9a: {  	_ =	strace s3  }
0x9b: {  	s3 =	sld [smem:$0x3FFD];
	_ =	sdelay $0x3  }
0x9c: {  	_ =	strace s3  }
0x9d: {  	_ =	strace $0x8FFFFFFF  }
0x9e: {  	s18 =	sld [smem:$0x3FDB];
	_ =	sdelay $0x1  }
0x9f: {  	s19 =	simm.s32 $_scs_section_size  }
0xa0: {  	s5 =	simm.s32 $_size__tile_overlayer_lowered;
	s6 =	simm.s32 $_tile_overlayer_lowered  }
0xa1: {  	s22 =	simm.s32 $0x1BFF;
	s21 =	sshll.u32 s6, $0x1;
	s3 =	sadd.s32 s19, s18  }
0xa2: {  	s7 =	simm.s32 $0x0;
	s20 =	sshll.u32 s5, $0x1;
	s5 =	sadd.s32 s21, s3  }
0xa3: {  	[timem:s7], [sflag:s22] =	dma.local [hbm:s5], s20  }
0xa4: {  	_ =	swait.ge [sflag:s22], s20  }
0xa5: {  	s4 =	ssub.s32 $0x0, s20;
	[sflag:s22] =	ssyncset.done $0x0  }
0xa6: {  	[sflag:s22] =	ssyncadd.s32 s4;
	_ =	sdelay $0x1  }
0xa7: {  	s23 =	simm.s32 $0x1B8B  }
0xa8: {  	_ =	swait.ge [sflag:s23], $0x1  }
0xa9: {  	[sflag:s23] =	ssyncset.done $0x0  }
0xaa: {  	s25 =	simm.s32 $0x1B8E;
	s24 =	sld [smem:$0x3FFE];
	[sflag:s23] =	ssyncadd.s32 $0xFFFFFFFF  }
0xab: {  	s26 =	simm.s32 $execute0_lowered;
	[smem:$0x3FD2] =	sst s25  }
0xac: {  	s5 =	sshll.u32 s26, $0x1;
	_ =	strace $0x80000046;
	[dreg:$0x1] =	wrdreg $0xFFFFFFFF  }
0xad: {  	s28 =	simm.s32 $_size_execute0_lowered;
	s3 =	sadd.s32 s3, s5;
	[dreg:$0x0] =	wrdreg $0x0  }
0xae: {  	s5 =	sshll.u32 s28, $0x1;
	[dreg:$0x2] =	wrdreg s3  }
0xaf: {  	[dreg:$0x3] =	wrdreg s5  }
0xb0: {  	[dreg:$0x4] =	wrdreg $0xC0  }
0xb1: {  	_ =	task [dreg:s7], $0x5FFFF  }
0xb2: {  	[dreg:$0x1] =	wrdreg $0xFFFFFFFF  }
0xb3: {  	[dreg:$0x0] =	wrdreg $0x60  }
0xb4: {  	[dreg:$0x2] =	wrdreg s24  }
0xb5: {  	[dreg:$0x3] =	wrdreg s16  }
0xb6: {  	[dreg:$0x4] =	wrdreg $0x9  }
0xb7: {  	_ =	task.clear_ibuf [dreg:s7], $0x5FFFF;
	_ =	strace $0x90000046  }
0xb8: {  	s29 =	simm.s32 $0x9;
	_ =	strace $0x80000048  }
0xb9: {  	_ =	swait.ge [sflag:s29], $0x1  }
0xba: {  	[sflag:s29] =	ssyncadd.s32 $0xFFFFFFFF  }
0xbb: {  	_ =	strace $0x90000048  }
0xbc: {  	_ =	sfence  }
0xbd: {  	s30 =	sld [smem:$0x0];
	_ =	sdelay $0x2  }
0xbe: {  	s31 =	sshll.u32 s1, $0xD;
	s1 =	sshrl.u32 s1, $0x2  }
0xbf: {  	s3 =	sand.u32 $0x4000, s31;
	s1 =	sadd.s32 s1, s30  }
0xc0: {  	s0 =	sor.u32 s3, s0;
	s1 =	sshll.u32 s1, $0x11  }
0xc1: {  	s0 =	sor.u32 s1, s0  }
0xc2: {  	s0 =	sadd.s32 $0x8F2B, s0  }
0xc3: {  	[sflag:s0] =	ssyncadd.remote.s32 $0x1  }
0xc4: {  	_ =	sfence.sel $0xFFFF  }
0xc5: {  	[dreg:$0x0] =	wrdreg $0xFFFFFFFF;
	(pc) =	sbr.abs _section_cstart, $3  }
0xc6: {  	[dreg:$0x1] =	wrdreg $0xFFFFFFFF  }
0xc7: {  	_ =	task.clear_ibuf [dreg:s7], $0x2FFFF;
	_ =	strace $0x9FFFFFFF  }
0xc8: {  	(tm) =	ssettm $0x7FFFFFFF  }
0xc9: {  	_ =	shalt  }
tec
execute0_lowered:
.L_overlay_start_1:
0x0: {  	(tag) =	ssettag $0x1  }
0x1: {  	s3 =	rddreg [dreg:$0x0]  }
0x2: {  	s4 =	rddreg [dreg:$0x1]  }
0x3: {  	s1 =	srdreg.scid;
	s0 =	rddreg [dreg:$0x2];
	s2 =	simm.s32 $0x0  }
0x4: {  	s10 =	simm.s32 $0x0;
	s5 =	sand.u32 $0x1, s1;
	[smem:$0x7FF] =	sst s2  }
0x5: {  	s1 =	stileid.u32;
	s6 =	sshll.u32 s5, $0x4;
	s5 =	ssub.s32 $0x2, s5  }
0x6: {  	_ =	strace $0x80000047;
	s6 =	sor.u32 s1, s6;
	s31 =	sshrl.u32 s5, $0x1  }
0x7: {  	v0 =	vlaneseq.u32;
	s7 =	sshll.u32 s6, $0xC;
	s6 =	sshll.u32 s6, $0x8;
	s9 =	ssub.s32 s5, s31  }
0x8: {  	v2 =	vmul.u32 $0xFFFFFFFF, v0;
	s7 =	sadd.s32 s7, s3;
	s8 =	sadd.s32 s6, s3;
	s4 =	sadd.s32 s4, s6  }
0x9: {  	s6 =	smax.u32 s9, $0x1;
	s9 =	simm.s32 $0x8880;
	s3 =	sadd.s32 $0x1C00, s7  }
0xa: {  	v1 =	vor.u32 $0x10, v0;
	v2 =	vadd.s32 $0xF, v2;
	s5 =	sadd.s32 $0x21C00, s8;
	s7 =	simm.s32 $0x1;
	s8 =	simm.s32 $0x8000  }
.LBB2_1:
0xb: {  	[tilespmem:s2], [sflag:$0x1] =	stream.linear.gather [hbm4b:s3+s2], $0x8000, $0x38;
	[tilespmem:$0x9200] =	vst v63  }
0xc: {  	_ =	swait.ge [sflag:s7], $0x8000  }
0xd: {  	[sflag:s7] =	ssyncset.done $0x0  }
0xe: {  	[sflag:s7] =	ssyncadd.s32 $0xFFFF8000  }
0xf: {  	[tilespmem:$0x9180] =	vst v1  }
0x10: {  	s12 =	simm.s32 $0x20;
	s13 =	simm.s32 $0x20;
	s11 =	simm.s32 $0x0;
	[tilespmem:$0x9100] =	vst v0;
	v3 =	vld [tilespmem:$0x9180]  }
.LBB2_2:
0x11: {  	p0 =	sne.s32 s13, $0x1FE0;
	v4 =	vld [tilespmem:s12+$0x10]  }
0x12: {  	v5 =	vld [tilespmem:s12+$0xFFFFFFF0]  }
0x13: {  	v6 =	vld [tilespmem:s12+$0x0]  }
0x14: {  	v7 =	vld [tilespmem:s12+$0xFFFFFFE0]  }
0x15: {  	v8 =	vld [tilespmem:$0x9100];
	v9 =	vadd.s32 $0x20, v3  }
0x16: {  	(xrf1) =	vsort.dscd.msk.f32 $0xffff, v4, v9  }
0x17: {  	v4 =	vadd.s32 $0x10, v3;
	(xrf1) =	vsort.dscd.msk.f32 $0xffff, v5, v3  }
0x18: {  	(xrf1) =	vsort.dscd.msk.f32 $0xffff, v6, v4;
	_ =	sdelay $0x1  }
0x19: {  	(xrf1) =	vsort.dscd.msk.f32 $0xffff, v7, v8;
	_ =	sdelay $0x9  }
0x1a: {  	v3, v4, _ =	vpop (xrf1)  }
0x1b: {  	v3 =	vperm.xlane v3, v2;
	v4 =	vperm.xlane v4, v2;
	v5, v6, _ =	vpop (xrf1)  }
0x1c: {  	vm0 =	vlt.s32 v8, $0x8;
	v5 =	vperm.xlane v5, v2;
	v7, v8, _ =	vpop (xrf1)  }
0x1d: {  	v6 =	vperm.xlane v6, v2;
	v3 =	vsel vm0, v7, v3;
	v4 =	vsel vm0, v8, v4  }
0x1e: {  	v7, v8, _ =	vpop (xrf1);
	(xrf1) =	vsort.dscd.msk.f32 $0xffff, v3, v4  }
0x1f: {  	v3 =	vsel vm0, v7, v5;
	v4 =	vsel vm0, v8, v6  }
0x20: {  	(xrf1) =	vsort.dscd.msk.f32 $0xffff, v3, v4;
	_ =	sdelay $0xb  }
0x21: {  	v3, v4, _ =	vpop (xrf1)  }
0x22: {  	v3 =	vperm.xlane v3, v2;
	v4 =	vperm.xlane v4, v2  }
0x23: {  	v5, v6, _ =	vpop (xrf1)  }
0x24: {  	v3 =	vsel vm0, v5, v3;
	v4 =	vsel vm0, v6, v4  }
0x25: {  	(xrf1) =	vsort.dscd.msk.f32 $0xffff, v3, v4;
	_ =	sdelay $0xd  }
0x26: {  	s14 =	sshra.s32 s11, $0x2;
	s11 =	smov.u32 s13;
	v3, v4, _ =	vpop (xrf1)  }
0x27: {  	[tilespmem:s14+$0x8880] =	vst v4;
	(xrf0) =	vmax.scan.msk.f32 $0xffff, v3;
	_ =	sdelay $0x5  }
0x28: {  	v4, _, _ =	vpop (xrf0)  }
0x29: {  	v4 =	vbroadcast v4, $0xF;
	_ =	sdelay $0x1  }
0x2a: {  	v3 =	vsub.f32 v3, v4;
	_ =	sdelay $0x1  }
0x2b: {  	v3 =	vmul.f32 $1.442695020e+00, v3;
	_ =	sdelay $0x1  }
0x2c: {  	(erf) = vpow2.f32 v3;
	_ =	sdelay $0x8  }
0x2d: {  	v3 =	vpop (erf)  }
0x2e: {  	v3 =	vnsel vm0, $0x0, v3  }
0x2f: {  	(xrf2) =	vadd.scan.msk.f32 $0xffff, v3;
	_ =	sdelay $0x9  }
0x30: {  	v4, _, _ =	vpop (xrf2)  }
0x31: {  	v4 =	vbroadcast v4, $0xF;
	_ =	sdelay $0x1  }
0x32: {  	(erf) = vrcp.f32 v4;
	_ =	sdelay $0x8  }
.Ltmp0:
0x33: {  	v4 =	vpop (erf);
	(pc) =	sbr.rel @p0 .LBB2_2-.Ltmp0, $3  }
0x34: {  	v3 =	vmul.f32 v4, v3;
	_ =	sdelay $0x1  }
0x35: {  	[tilespmem:s14+$0x8000] =	vst v3  }
0x36: {  	s13 =	sadd.s32 $0x20, s13;
	s12 =	sadd.s32 $0x80, s12;
	v3 =	vld [tilespmem:$0x9180]  }
0x37: {  	v4 =	vld [tilespmem:s12+$0x10]  }
0x38: {  	v5 =	vld [tilespmem:s12+$0xFFFFFFF0]  }
0x39: {  	v6 =	vld [tilespmem:s12+$0x0]  }
0x3a: {  	v7 =	vld [tilespmem:s12+$0xFFFFFFE0]  }
0x3b: {  	v8 =	vld [tilespmem:$0x9100];
	v9 =	vadd.s32 $0x20, v3  }
0x3c: {  	(xrf1) =	vsort.dscd.msk.f32 $0xffff, v4, v9  }
0x3d: {  	v53 =	vadd.s32 $0x10, v3;
	(xrf1) =	vsort.dscd.msk.f32 $0xffff, v5, v3  }
0x3e: {  	(xrf1) =	vsort.dscd.msk.f32 $0xffff, v6, v53;
	_ =	sdelay $0x1  }
0x3f: {  	(xrf1) =	vsort.dscd.msk.f32 $0xffff, v7, v8;
	_ =	sdelay $0x9  }
0x40: {  	v3, v54, _ =	vpop (xrf1)  }
0x41: {  	v3 =	vperm.xlane v3, v2;
	v4 =	vperm.xlane v54, v2;
	v5, v55, _ =	vpop (xrf1)  }
0x42: {  	vm0 =	vlt.s32 v8, $0x8;
	v5 =	vperm.xlane v5, v2;
	v7, v56, _ =	vpop (xrf1)  }
0x43: {  	v6 =	vperm.xlane v55, v2;
	v3 =	vsel vm0, v7, v3;
	v4 =	vsel vm0, v56, v4  }
0x44: {  	v57, v58, _ =	vpop (xrf1);
	(xrf1) =	vsort.dscd.msk.f32 $0xffff, v3, v4  }
0x45: {  	v3 =	vsel vm0, v57, v5;
	v59 =	vsel vm0, v58, v6  }
0x46: {  	(xrf1) =	vsort.dscd.msk.f32 $0xffff, v3, v59;
	_ =	sdelay $0xb  }
0x47: {  	v3, v4, _ =	vpop (xrf1)  }
0x48: {  	v3 =	vperm.xlane v3, v2;
	v4 =	vperm.xlane v4, v2  }
0x49: {  	v60, v61, _ =	vpop (xrf1)  }
0x4a: {  	v3 =	vsel vm0, v60, v3;
	v4 =	vsel vm0, v61, v4  }
0x4b: {  	(xrf1) =	vsort.dscd.msk.f32 $0xffff, v3, v4;
	_ =	sdelay $0xd  }
0x4c: {  	v3, v4, _ =	vpop (xrf1)  }
0x4d: {  	(xrf0) =	vmax.scan.msk.f32 $0xffff, v3;
	_ =	sdelay $0x5  }
0x4e: {  	v62, _, _ =	vpop (xrf0)  }
0x4f: {  	v5 =	vbroadcast v62, $0xF;
	_ =	sdelay $0x1  }
0x50: {  	v3 =	vsub.f32 v3, v5;
	_ =	sdelay $0x1  }
0x51: {  	v3 =	vmul.f32 $1.442695020e+00, v3;
	_ =	sdelay $0x1  }
0x52: {  	(erf) = vpow2.f32 v3;
	_ =	sdelay $0x8  }
0x53: {  	v3 =	vpop (erf)  }
0x54: {  	v3 =	vnsel vm0, $0x0, v3  }
0x55: {  	(xrf2) =	vadd.scan.msk.f32 $0xffff, v3;
	_ =	sdelay $0x9  }
0x56: {  	v63, _, _ =	vpop (xrf2)  }
0x57: {  	v5 =	vbroadcast v63, $0xF;
	_ =	sdelay $0x1  }
0x58: {  	(erf) = vrcp.f32 v5;
	_ =	sdelay $0x8  }
0x59: {  	v5 =	vpop (erf)  }
0x5a: {  	s11 =	sshra.s32 s11, $0x2;
	v3 =	vmul.f32 v5, v3  }
0x5b: {  	[tilespmem:s11+$0x8880] =	vst v4  }
0x5c: {  	[tilespmem:s11+$0x8000] =	vst v3  }
0x5d: {  	[hbm4b:s4+s2] =	stream.linear.scatter [tilespmem:s8], [sflag:$0x1], $0x800, $0x38;
	[tilespmem:$0x9200] =	vst v63  }
0x5e: {  	s10 =	sadd.s32 $0x1, s10;
	_ =	swait.ge [sflag:s7], $0x800  }
0x5f: {  	p0 =	sne.s32 s10, s6;
	[sflag:s7] =	ssyncset.done $0x0  }
.Ltmp1:
0x60: {  	[sflag:s7] =	ssyncadd.s32 $0xFFFFF800;
	(pc) =	sbr.rel @p0 .LBB2_1-.Ltmp1, $4  }
0x61: {  	[hbm4b:s5+s2] =	stream.linear.scatter [tilespmem:s9], [sflag:$0x1], $0x800, $0x38;
	[tilespmem:$0x9200] =	vst v63  }
0x62: {  	_ =	swait.ge [sflag:s7], $0x800  }
0x63: {  	[sflag:s7] =	ssyncset.done $0x0  }
0x64: {  	[sflag:s7] =	ssyncadd.s32 $0xFFFFF800  }
0x65: {  	_ =	sfence.sel $0x180000  }
0x66: {  	[bflag:$0x0] =	sbarrier.arrive $0xFFFF  }
0x67: {  	p0 =	sne.s32 s1, $0x0;
	_ =	strace $0x90000047  }
0x68: {  	s0 =	sadd.s32 @!p0 $0x100000, s0;
	[bflag:$0x2] =	sbarrier.arrive $0xFFFF  }
0x69: {  	[sflag:s0] =	ssyncadd.tile.s32 @!p0 $0x1;
	_ =	shalt  }
.Lfunc_end2:
_tile_overlayer_lowered:
.L_overlay_start_2:
0x6a: {  	(tag) =	ssettag $0x2  }
0x6b: {  	s0 =	rddreg [dreg:$0x0];
	s2 =	stileid.u32  }
0x6c: {  	s1 =	rddreg [dreg:$0x1];
	p0 =	sne.s32 s2, $0x0  }
0x6d: {  	s3 =	rddreg [dreg:$0x2];
	[bflag:$0x3] =	sbarrier.arrive $0xFFFF;
	s2 =	simm.s32 @!p0 $0x1C01  }
0x6e: {  	[timem:s3], [sflag:s2] =	dma.local @!p0 [hbm:s0], s1  }
0x6f: {  	s0 =	simm.s32 @!p0 $0x1  }
0x70: {  	_ =	swait.ge @!p0 [sflag:s0], s1  }
0x71: {  	s1 =	ssub.s32 @!p0 $0x0, s1;
	[sflag:s0] =	ssyncset.done @!p0 $0x0  }
0x72: {  	[sflag:s0] =	ssyncadd.s32 @!p0 s1  }
0x73: {  	[bflag:$0x3] =	sbarrier.arrive $0xFFFF  }
0x74: {  	_ =	shalt  }

</sc_bundles>
